<compile_context>
chip_gen: v7x
topology: tpu7x:2x2x1
jax: 0.10.2.dev20260603
libtpu: 0.0.44.dev20260713+nightly
codegen_flags: <defaults>
</compile_context>

<pallas_src>
import functools

import jax
import jax.numpy as jnp
from jax import lax
from jax.experimental import pallas as pl
from jax.experimental.pallas import tpu as pltpu
from jax.experimental.pallas import tpu_sc as plsc

_NUM_CORES = 2
_NUM_SUBCORES = 16
_NUM_WORKERS = _NUM_CORES * _NUM_SUBCORES
_CHUNK_ROWS = 8
_CHUNK_COLS = 4096
_NBUF = 2


def kernel(inputs):
    B, R, C = inputs.shape
    workers_per_row = _NUM_WORKERS // B
    rpw = R // workers_per_row
    ncol = C // _CHUNK_COLS
    nchunks = (rpw // _CHUNK_ROWS) * ncol
    assert rpw % _CHUNK_ROWS == 0 and C % _CHUNK_COLS == 0
    assert nchunks % _NBUF == 0

    perm = jax.random.permutation(jax.random.key(42), B)
    inv_perm = jnp.argsort(perm)
    wid = (
        jnp.arange(_NUM_SUBCORES, dtype=jnp.int32)[None, :] * _NUM_CORES
        + jnp.arange(_NUM_CORES, dtype=jnp.int32)[:, None]
    )
    dst_batch = inv_perm.astype(jnp.int32)[wid // workers_per_row]
    dst_batch = jnp.broadcast_to(
        dst_batch[:, :, None], (_NUM_CORES, _NUM_SUBCORES, 16)
    ).astype(jnp.int32)

    mesh = plsc.VectorSubcoreMesh(core_axis_name="c", subcore_axis_name="s")

    @functools.partial(
        pl.kernel,
        out_type=jax.ShapeDtypeStruct((B, R, C), jnp.float32),
        mesh=mesh,
        scratch_types=[
            pltpu.VMEM((16,), jnp.int32),
            pltpu.VMEM_SHARED(
                (_NUM_SUBCORES, _NBUF, _CHUNK_ROWS, _CHUNK_COLS), jnp.float32
            ),
            pltpu.SemaphoreType.DMA,
            *[pltpu.SemaphoreType.DMA for _ in range(2 * _NBUF)],
        ],
    )
    def run(in_hbm, dst_hbm, out_hbm, idx_v, shared, *sems):
        isem = sems[0]
        lsems = sems[1 : _NBUF + 1]
        ssems = sems[_NBUF + 1 :]
        cid = lax.axis_index("c")
        sid = lax.axis_index("s")
        bufs = [shared.at[sid, b] for b in range(_NBUF)]
        w = sid * _NUM_CORES + cid
        src_b = w // workers_per_row
        r0 = (w % workers_per_row) * rpw

        idx_cp = pltpu.async_copy(dst_hbm.at[cid, sid], idx_v, isem)

        def src_at(k):
            rc = k // ncol
            cc = k % ncol
            return in_hbm.at[
                src_b,
                pl.ds(pl.multiple_of(r0 + rc * _CHUNK_ROWS, 8), _CHUNK_ROWS),
                pl.ds(pl.multiple_of(cc * _CHUNK_COLS, 128), _CHUNK_COLS),
            ]

        for b in range(_NBUF):
            pltpu.async_copy(src_at(b), bufs[b], lsems[b])

        idx_cp.wait()
        dst_b = idx_v[...][0]

        def dst_at(k):
            rc = k // ncol
            cc = k % ncol
            return out_hbm.at[
                dst_b,
                pl.ds(pl.multiple_of(r0 + rc * _CHUNK_ROWS, 8), _CHUNK_ROWS),
                pl.ds(pl.multiple_of(cc * _CHUNK_COLS, 128), _CHUNK_COLS),
            ]

        ngroups = nchunks // _NBUF

        def body(g, carry):
            for b in range(_NBUF):
                k = g * _NBUF + b
                pltpu.make_async_copy(src_at(k), bufs[b], lsems[b]).wait()
                st = pltpu.async_copy(bufs[b], dst_at(k), ssems[b])
                st.wait()

                @pl.when(g < ngroups - 1)
                def _():
                    pltpu.async_copy(src_at(k + _NBUF), bufs[b], lsems[b])

            return carry

        lax.fori_loop(0, ngroups, body, 0)

    return run(inputs, dst_batch)

# --- scband reference (transcript-rebuilt; emitter-appended) ---
"""Pipeline reference for scband-batch-shuffling-layer-76888504533680 (READ-ONLY COPY).

The authoritative reference and input builder live on the scoring server;
editing this copy changes nothing except your own understanding.
"""

import jax, jax.numpy as jnp
import numpy as np


def setup_inputs(seed: int = 0) -> dict:
    key = jax.random.key(seed)
    inputs = jax.random.normal(key, (4, 2048, 4096), dtype=jnp.float32)
    return {"inputs": inputs}


def reference(inputs):
    # Faithful translation of BatchShufflingLayer.call with training=True:
    #   shuffled_indices = tf.random.shuffle(tf.range(batch_size))
    #   shuffled_inputs  = tf.gather(inputs, shuffled_indices)
    # Randomness made deterministic with a fixed PRNG key.
    batch_size = inputs.shape[0]
    shuffled_indices = jax.random.permutation(jax.random.key(42), batch_size)
    shuffled_inputs = jnp.take(inputs, shuffled_indices, axis=0)
    return shuffled_inputs

if __name__ == "__main__":
    import jax
    _d = setup_inputs()
    print(jax.jit(kernel)(*tuple(_d.values())))

</pallas_src>

<mosaic_0001>
#map = affine_map<(d0, d1) -> (0, 0, 0)>
module attributes {stable_mosaic.version = 14 : i64} {
  func.func @run(%arg0: i32, %arg1: i32, %arg2: memref<4x2048x4096xf32, #tpu.memory_space<hbm>>, %arg3: memref<2x16x16xi32, #tpu.memory_space<hbm>>, %arg4: memref<4x2048x4096xf32, #tpu.memory_space<hbm>>, %arg5: memref<16xi32, #tpu.memory_space<vmem>>, %arg6: memref<16x2x8x4096xf32, #tpu.memory_space<vmem_shared>>, %arg7: memref<!tpu.dma_semaphore, #tpu.memory_space<semaphore_mem>>, %arg8: memref<!tpu.dma_semaphore, #tpu.memory_space<semaphore_mem>>, %arg9: memref<!tpu.dma_semaphore, #tpu.memory_space<semaphore_mem>>, %arg10: memref<!tpu.dma_semaphore, #tpu.memory_space<semaphore_mem>>, %arg11: memref<!tpu.dma_semaphore, #tpu.memory_space<semaphore_mem>>) attributes {dimension_semantics = [#tpu.dimension_semantics<core_parallel>, #tpu.dimension_semantics<subcore_parallel>], iteration_bounds = array<i64: 2, 16>, scalar_prefetch = 0 : i64, scratch_operands = 7 : i64, tpu.core_type = #tpu.core_type<sc_vector_subcore>, window_params = [{transform_indices = #map}, {transform_indices = #map}, {transform_indices = #map}]} {
    %mul3A = arith.constant 2 : i32
    %mul3A_0 = arith.muli %arg1, %mul3A : i32
    %add3A = arith.addi %mul3A_0, %arg0 : i32
    %jit3A = arith.constant 8 : i32
    %div3A = arith.divsi %add3A, %jit3A : i32
    %sign3A = arith.constant 0 : i32
    %sign3A_1 = arith.cmpi sgt, %add3A, %sign3A : i32
    %sign3A_2 = arith.extui %sign3A_1 : i1 to i32
    %sign3A_3 = arith.constant 0 : i32
    %sign3A_4 = arith.cmpi slt, %add3A, %sign3A_3 : i32
    %sign3A_5 = arith.extui %sign3A_4 : i1 to i32
    %sign3A_6 = arith.subi %sign3A_2, %sign3A_5 : i32
    %sign3A_7 = arith.constant 0 : i32
    %sign3A_8 = arith.cmpi sgt, %jit3A, %sign3A_7 : i32
    %sign3A_9 = arith.extui %sign3A_8 : i1 to i32
    %sign3A_10 = arith.constant 0 : i32
    %sign3A_11 = arith.cmpi slt, %jit3A, %sign3A_10 : i32
    %sign3A_12 = arith.extui %sign3A_11 : i1 to i32
    %sign3A_13 = arith.subi %sign3A_9, %sign3A_12 : i32
    %ne3A = arith.cmpi ne, %sign3A_6, %sign3A_13 : i32
    %rem3A = arith.remsi %add3A, %jit3A : i32
    %ne3A_14 = arith.constant 0 : i32
    %ne3A_15 = arith.cmpi ne, %rem3A, %ne3A_14 : i32
    %and3A = arith.andi %ne3A, %ne3A_15 : i1
    %sub3A = arith.constant 1 : i32
    %sub3A_16 = arith.subi %div3A, %sub3A : i32
    %select_n3A = arith.select %and3A, %sub3A_16, %div3A : i32
    %jit3A_17 = arith.constant 8 : i32
    %eq3A = arith.constant 0 : i32
    %eq3A_18 = arith.cmpi eq, %jit3A_17, %eq3A : i32
    %jit3A_19 = arith.constant 1 : i32
    %select_n3A_20 = arith.select %eq3A_18, %jit3A_19, %jit3A_17 : i32
    %rem3A_21 = arith.remsi %add3A, %select_n3A_20 : i32
    %ne3A_22 = arith.constant 0 : i32
    %ne3A_23 = arith.cmpi ne, %rem3A_21, %ne3A_22 : i32
    %lt3A = arith.constant 0 : i32
    %lt3A_24 = arith.cmpi slt, %rem3A_21, %lt3A : i32
    %lt3A_25 = arith.constant 0 : i32
    %lt3A_26 = arith.cmpi slt, %select_n3A_20, %lt3A_25 : i32
    %ne3A_27 = arith.xori %lt3A_24, %lt3A_26 : i1
    %and3A_28 = arith.andi %ne3A_27, %ne3A_23 : i1
    %add3A_29 = arith.addi %rem3A_21, %select_n3A_20 : i32
    %select_n3A_30 = arith.select %and3A_28, %add3A_29, %rem3A_21 : i32
    %mul3A_31 = arith.constant 256 : i32
    %mul3A_32 = arith.muli %select_n3A_30, %mul3A_31 : i32
    %dma_start3A = arith.constant 0 : i32
    %dma_start3A_33 = tpu.memref_slice %arg3[%arg0, %arg1, %dma_start3A] : memref<2x16x16xi32, #tpu.memory_space<hbm>> -> memref<1x1x16xi32, #tpu.memory_space<hbm>>
    %dma_start3A_34 = tpu.memref_squeeze %dma_start3A_33 : memref<1x1x16xi32, #tpu.memory_space<hbm>> -> memref<16xi32, #tpu.memory_space<hbm>>
    %dma_start3A_35 = arith.constant 0 : i32
    %dma_start3A_36 = tpu.memref_slice %arg3[%arg0, %arg1, %dma_start3A_35] : memref<2x16x16xi32, #tpu.memory_space<hbm>> -> memref<1x1x16xi32, #tpu.memory_space<hbm>>
    %dma_start3A_37 = tpu.memref_squeeze %dma_start3A_36 : memref<1x1x16xi32, #tpu.memory_space<hbm>> -> memref<16xi32, #tpu.memory_space<hbm>>
    tpu.enqueue_dma source(%dma_start3A_37 : memref<16xi32, #tpu.memory_space<hbm>>) target(%arg5 : memref<16xi32, #tpu.memory_space<vmem>>) target_semaphore(%arg7 : memref<!tpu.dma_semaphore, #tpu.memory_space<semaphore_mem>>)
    %add3A_38 = arith.constant 0 : i32
    %add3A_39 = arith.addi %mul3A_32, %add3A_38 : i32
    %multiple_of3A = tpu.assume_multiple %add3A_39, 8 : i32
    %multiple_of3A_40 = arith.constant 0 : i32
    %multiple_of3A_41 = tpu.assume_multiple %multiple_of3A_40, 128 : i32
    %dma_start3A_42 = arith.constant 0 : i32
    %dma_start3A_43 = arith.constant 0 : i32
    %dma_start3A_44 = arith.constant 0 : i32
    %dma_start3A_45 = tpu.memref_slice %arg6[%arg1, %dma_start3A_42, %dma_start3A_43, %dma_start3A_44] : memref<16x2x8x4096xf32, #tpu.memory_space<vmem_shared>> -> memref<1x1x8x4096xf32, #tpu.memory_space<vmem_shared>>
    %dma_start3A_46 = tpu.memref_squeeze %dma_start3A_45 : memref<1x1x8x4096xf32, #tpu.memory_space<vmem_shared>> -> memref<8x4096xf32, #tpu.memory_space<vmem_shared>>
    %dma_start3A_47 = tpu.memref_slice %arg2[%select_n3A, %multiple_of3A, %multiple_of3A_41] : memref<4x2048x4096xf32, #tpu.memory_space<hbm>> -> memref<1x8x4096xf32, #tpu.memory_space<hbm>>
    %dma_start3A_48 = tpu.memref_squeeze %dma_start3A_47 : memref<1x8x4096xf32, #tpu.memory_space<hbm>> -> memref<8x4096xf32, #tpu.memory_space<hbm>>
    tpu.enqueue_dma source(%dma_start3A_48 : memref<8x4096xf32, #tpu.memory_space<hbm>>) target(%dma_start3A_46 : memref<8x4096xf32, #tpu.memory_space<vmem_shared>>) target_semaphore(%arg8 : memref<!tpu.dma_semaphore, #tpu.memory_space<semaphore_mem>>)
    %add3A_49 = arith.constant 8 : i32
    %add3A_50 = arith.addi %mul3A_32, %add3A_49 : i32
    %multiple_of3A_51 = tpu.assume_multiple %add3A_50, 8 : i32
    %multiple_of3A_52 = arith.constant 0 : i32
    %multiple_of3A_53 = tpu.assume_multiple %multiple_of3A_52, 128 : i32
    %dma_start3A_54 = arith.constant 1 : i32
    %dma_start3A_55 = arith.constant 0 : i32
    %dma_start3A_56 = arith.constant 0 : i32
    %dma_start3A_57 = tpu.memref_slice %arg6[%arg1, %dma_start3A_54, %dma_start3A_55, %dma_start3A_56] : memref<16x2x8x4096xf32, #tpu.memory_space<vmem_shared>> -> memref<1x1x8x4096xf32, #tpu.memory_space<vmem_shared>>
    %dma_start3A_58 = tpu.memref_squeeze %dma_start3A_57 : memref<1x1x8x4096xf32, #tpu.memory_space<vmem_shared>> -> memref<8x4096xf32, #tpu.memory_space<vmem_shared>>
    %dma_start3A_59 = tpu.memref_slice %arg2[%select_n3A, %multiple_of3A_51, %multiple_of3A_53] : memref<4x2048x4096xf32, #tpu.memory_space<hbm>> -> memref<1x8x4096xf32, #tpu.memory_space<hbm>>
    %dma_start3A_60 = tpu.memref_squeeze %dma_start3A_59 : memref<1x8x4096xf32, #tpu.memory_space<hbm>> -> memref<8x4096xf32, #tpu.memory_space<hbm>>
    tpu.enqueue_dma source(%dma_start3A_60 : memref<8x4096xf32, #tpu.memory_space<hbm>>) target(%dma_start3A_58 : memref<8x4096xf32, #tpu.memory_space<vmem_shared>>) target_semaphore(%arg9 : memref<!tpu.dma_semaphore, #tpu.memory_space<semaphore_mem>>)
    %dma_wait3A = arith.constant 0 : i32
    %dma_wait3A_61 = tpu.memref_slice %arg3[%arg0, %arg1, %dma_wait3A] : memref<2x16x16xi32, #tpu.memory_space<hbm>> -> memref<1x1x16xi32, #tpu.memory_space<hbm>>
    %dma_wait3A_62 = tpu.memref_squeeze %dma_wait3A_61 : memref<1x1x16xi32, #tpu.memory_space<hbm>> -> memref<16xi32, #tpu.memory_space<hbm>>
    %dma_wait3A_63 = arith.constant 0 : i32
    %dma_wait3A_64 = tpu.memref_slice %arg3[%arg0, %arg1, %dma_wait3A_63] : memref<2x16x16xi32, #tpu.memory_space<hbm>> -> memref<1x1x16xi32, #tpu.memory_space<hbm>>
    %dma_wait3A_65 = tpu.memref_squeeze %dma_wait3A_64 : memref<1x1x16xi32, #tpu.memory_space<hbm>> -> memref<16xi32, #tpu.memory_space<hbm>>
    tpu.wait_dma2 semaphore(%arg7 : memref<!tpu.dma_semaphore, #tpu.memory_space<semaphore_mem>>) src(%dma_wait3A_65 : memref<16xi32, #tpu.memory_space<hbm>>) dst(%arg5 : memref<16xi32, #tpu.memory_space<vmem>>)
    %get3A = arith.constant 0 : index
    %get3A_66 = tpu.vector_load %arg5[%get3A] {strides = array<i32>} : memref<16xi32, #tpu.memory_space<vmem>>, vector<16xi32>,
    %get3A_67 = vector.shape_cast %get3A_66 : vector<16xi32> to vector<16xi32>
    %slice3A = vector.extract_strided_slice %get3A_67 {offsets = [0], sizes = [1], strides = [1]} : vector<16xi32> to vector<1xi32>
    %squeeze3A = vector.extract %slice3A[0] : i32 from vector<1xi32>
    %scan3A = arith.constant 0 : i32
    %scan3A_68 = arith.constant 0 : i32
    %scan3A_69 = arith.constant 1 : i32
    %scan3A_70 = arith.constant 0 : i32
    %scan3A_71 = arith.constant 16 : i32
    %scan3A_72 = arith.addi %scan3A_70, %scan3A_71 : i32
    %scan3A_73 = arith.constant 1 : i32
    scf.for %scan3A_75 = %scan3A_70 to %scan3A_72 step %scan3A_73  : i32 {
      %mul3A_76 = arith.constant 2 : i32
      %mul3A_77 = arith.muli %scan3A_75, %mul3A_76 : i32
      %add3A_78 = arith.constant 0 : i32
      %add3A_79 = arith.addi %mul3A_77, %add3A_78 : i32
      %jit3A_80 = arith.constant 1 : i32
      %div3A_81 = arith.divsi %add3A_79, %jit3A_80 : i32
      %sign3A_82 = arith.constant 0 : i32
      %sign3A_83 = arith.cmpi sgt, %add3A_79, %sign3A_82 : i32
      %sign3A_84 = arith.extui %sign3A_83 : i1 to i32
      %sign3A_85 = arith.constant 0 : i32
      %sign3A_86 = arith.cmpi slt, %add3A_79, %sign3A_85 : i32
      %sign3A_87 = arith.extui %sign3A_86 : i1 to i32
      %sign3A_88 = arith.subi %sign3A_84, %sign3A_87 : i32
      %sign3A_89 = arith.constant 0 : i32
      %sign3A_90 = arith.cmpi sgt, %jit3A_80, %sign3A_89 : i32
      %sign3A_91 = arith.extui %sign3A_90 : i1 to i32
      %sign3A_92 = arith.constant 0 : i32
      %sign3A_93 = arith.cmpi slt, %jit3A_80, %sign3A_92 : i32
      %sign3A_94 = arith.extui %sign3A_93 : i1 to i32
      %sign3A_95 = arith.subi %sign3A_91, %sign3A_94 : i32
      %ne3A_96 = arith.cmpi ne, %sign3A_88, %sign3A_95 : i32
      %rem3A_97 = arith.remsi %add3A_79, %jit3A_80 : i32
      %ne3A_98 = arith.constant 0 : i32
      %ne3A_99 = arith.cmpi ne, %rem3A_97, %ne3A_98 : i32
      %and3A_100 = arith.andi %ne3A_96, %ne3A_99 : i1
      %sub3A_101 = arith.constant 1 : i32
      %sub3A_102 = arith.subi %div3A_81, %sub3A_101 : i32
      %select_n3A_103 = arith.select %and3A_100, %sub3A_102, %div3A_81 : i32
      %jit3A_104 = arith.constant 1 : i32
      %eq3A_105 = arith.constant 0 : i32
      %eq3A_106 = arith.cmpi eq, %jit3A_104, %eq3A_105 : i32
      %jit3A_107 = arith.constant 1 : i32
      %select_n3A_108 = arith.select %eq3A_106, %jit3A_107, %jit3A_104 : i32
      %rem3A_109 = arith.remsi %add3A_79, %select_n3A_108 : i32
      %ne3A_110 = arith.constant 0 : i32
      %ne3A_111 = arith.cmpi ne, %rem3A_109, %ne3A_110 : i32
      %lt3A_112 = arith.constant 0 : i32
      %lt3A_113 = arith.cmpi slt, %rem3A_109, %lt3A_112 : i32
      %lt3A_114 = arith.constant 0 : i32
      %lt3A_115 = arith.cmpi slt, %select_n3A_108, %lt3A_114 : i32
      %ne3A_116 = arith.xori %lt3A_113, %lt3A_115 : i1
      %and3A_117 = arith.andi %ne3A_116, %ne3A_111 : i1
      %add3A_118 = arith.addi %rem3A_109, %select_n3A_108 : i32
      %select_n3A_119 = arith.select %and3A_117, %add3A_118, %rem3A_109 : i32
      %mul3A_120 = arith.constant 8 : i32
      %mul3A_121 = arith.muli %select_n3A_103, %mul3A_120 : i32
      %add3A_122 = arith.addi %mul3A_32, %mul3A_121 : i32
      %multiple_of3A_123 = tpu.assume_multiple %add3A_122, 8 : i32
      %mul3A_124 = arith.constant 4096 : i32
      %mul3A_125 = arith.muli %select_n3A_119, %mul3A_124 : i32
      %multiple_of3A_126 = tpu.assume_multiple %mul3A_125, 128 : i32
      %dma_wait3A_127 = arith.constant 0 : i32
      %dma_wait3A_128 = arith.constant 0 : i32
      %dma_wait3A_129 = tpu.memref_slice %arg6[%arg1, %scan3A_68, %dma_wait3A_127, %dma_wait3A_128] : memref<16x2x8x4096xf32, #tpu.memory_space<vmem_shared>> -> memref<1x1x8x4096xf32, #tpu.memory_space<vmem_shared>>
      %dma_wait3A_130 = tpu.memref_squeeze %dma_wait3A_129 : memref<1x1x8x4096xf32, #tpu.memory_space<vmem_shared>> -> memref<8x4096xf32, #tpu.memory_space<vmem_shared>>
      %dma_wait3A_131 = tpu.memref_slice %arg2[%select_n3A, %multiple_of3A_123, %multiple_of3A_126] : memref<4x2048x4096xf32, #tpu.memory_space<hbm>> -> memref<1x8x4096xf32, #tpu.memory_space<hbm>>
      %dma_wait3A_132 = tpu.memref_squeeze %dma_wait3A_131 : memref<1x8x4096xf32, #tpu.memory_space<hbm>> -> memref<8x4096xf32, #tpu.memory_space<hbm>>
      tpu.wait_dma2 semaphore(%arg8 : memref<!tpu.dma_semaphore, #tpu.memory_space<semaphore_mem>>) src(%dma_wait3A_132 : memref<8x4096xf32, #tpu.memory_space<hbm>>) dst(%dma_wait3A_130 : memref<8x4096xf32, #tpu.memory_space<vmem_shared>>)
      %jit3A_133 = arith.constant 1 : i32
      %div3A_134 = arith.divsi %add3A_79, %jit3A_133 : i32
      %sign3A_135 = arith.constant 0 : i32
      %sign3A_136 = arith.cmpi sgt, %add3A_79, %sign3A_135 : i32
      %sign3A_137 = arith.extui %sign3A_136 : i1 to i32
      %sign3A_138 = arith.constant 0 : i32
      %sign3A_139 = arith.cmpi slt, %add3A_79, %sign3A_138 : i32
      %sign3A_140 = arith.extui %sign3A_139 : i1 to i32
      %sign3A_141 = arith.subi %sign3A_137, %sign3A_140 : i32
      %sign3A_142 = arith.constant 0 : i32
      %sign3A_143 = arith.cmpi sgt, %jit3A_133, %sign3A_142 : i32
      %sign3A_144 = arith.extui %sign3A_143 : i1 to i32
      %sign3A_145 = arith.constant 0 : i32
      %sign3A_146 = arith.cmpi slt, %jit3A_133, %sign3A_145 : i32
      %sign3A_147 = arith.extui %sign3A_146 : i1 to i32
      %sign3A_148 = arith.subi %sign3A_144, %sign3A_147 : i32
      %ne3A_149 = arith.cmpi ne, %sign3A_141, %sign3A_148 : i32
      %rem3A_150 = arith.remsi %add3A_79, %jit3A_133 : i32
      %ne3A_151 = arith.constant 0 : i32
      %ne3A_152 = arith.cmpi ne, %rem3A_150, %ne3A_151 : i32
      %and3A_153 = arith.andi %ne3A_149, %ne3A_152 : i1
      %sub3A_154 = arith.constant 1 : i32
      %sub3A_155 = arith.subi %div3A_134, %sub3A_154 : i32
      %select_n3A_156 = arith.select %and3A_153, %sub3A_155, %div3A_134 : i32
      %jit3A_157 = arith.constant 1 : i32
      %eq3A_158 = arith.constant 0 : i32
      %eq3A_159 = arith.cmpi eq, %jit3A_157, %eq3A_158 : i32
      %jit3A_160 = arith.constant 1 : i32
      %select_n3A_161 = arith.select %eq3A_159, %jit3A_160, %jit3A_157 : i32
      %rem3A_162 = arith.remsi %add3A_79, %select_n3A_161 : i32
      %ne3A_163 = arith.constant 0 : i32
      %ne3A_164 = arith.cmpi ne, %rem3A_162, %ne3A_163 : i32
      %lt3A_165 = arith.constant 0 : i32
      %lt3A_166 = arith.cmpi slt, %rem3A_162, %lt3A_165 : i32
      %lt3A_167 = arith.constant 0 : i32
      %lt3A_168 = arith.cmpi slt, %select_n3A_161, %lt3A_167 : i32
      %ne3A_169 = arith.xori %lt3A_166, %lt3A_168 : i1
      %and3A_170 = arith.andi %ne3A_169, %ne3A_164 : i1
      %add3A_171 = arith.addi %rem3A_162, %select_n3A_161 : i32
      %select_n3A_172 = arith.select %and3A_170, %add3A_171, %rem3A_162 : i32
      %mul3A_173 = arith.constant 8 : i32
      %mul3A_174 = arith.muli %select_n3A_156, %mul3A_173 : i32
      %add3A_175 = arith.addi %mul3A_32, %mul3A_174 : i32
      %multiple_of3A_176 = tpu.assume_multiple %add3A_175, 8 : i32
      %mul3A_177 = arith.constant 4096 : i32
      %mul3A_178 = arith.muli %select_n3A_172, %mul3A_177 : i32
      %multiple_of3A_179 = tpu.assume_multiple %mul3A_178, 128 : i32
      %dma_start3A_180 = tpu.memref_slice %arg4[%squeeze3A, %multiple_of3A_176, %multiple_of3A_179] : memref<4x2048x4096xf32, #tpu.memory_space<hbm>> -> memref<1x8x4096xf32, #tpu.memory_space<hbm>>
      %dma_start3A_181 = tpu.memref_squeeze %dma_start3A_180 : memref<1x8x4096xf32, #tpu.memory_space<hbm>> -> memref<8x4096xf32, #tpu.memory_space<hbm>>
      %dma_start3A_182 = arith.constant 0 : i32
      %dma_start3A_183 = arith.constant 0 : i32
      %dma_start3A_184 = tpu.memref_slice %arg6[%arg1, %scan3A_68, %dma_start3A_182, %dma_start3A_183] : memref<16x2x8x4096xf32, #tpu.memory_space<vmem_shared>> -> memref<1x1x8x4096xf32, #tpu.memory_space<vmem_shared>>
      %dma_start3A_185 = tpu.memref_squeeze %dma_start3A_184 : memref<1x1x8x4096xf32, #tpu.memory_space<vmem_shared>> -> memref<8x4096xf32, #tpu.memory_space<vmem_shared>>
      tpu.enqueue_dma source(%dma_start3A_185 : memref<8x4096xf32, #tpu.memory_space<vmem_shared>>) target(%dma_start3A_181 : memref<8x4096xf32, #tpu.memory_space<hbm>>) target_semaphore(%arg10 : memref<!tpu.dma_semaphore, #tpu.memory_space<semaphore_mem>>)
      %dma_wait3A_186 = tpu.memref_slice %arg4[%squeeze3A, %multiple_of3A_176, %multiple_of3A_179] : memref<4x2048x4096xf32, #tpu.memory_space<hbm>> -> memref<1x8x4096xf32, #tpu.memory_space<hbm>>
      %dma_wait3A_187 = tpu.memref_squeeze %dma_wait3A_186 : memref<1x8x4096xf32, #tpu.memory_space<hbm>> -> memref<8x4096xf32, #tpu.memory_space<hbm>>
      %dma_wait3A_188 = arith.constant 0 : i32
      %dma_wait3A_189 = arith.constant 0 : i32
      %dma_wait3A_190 = tpu.memref_slice %arg6[%arg1, %scan3A_68, %dma_wait3A_188, %dma_wait3A_189] : memref<16x2x8x4096xf32, #tpu.memory_space<vmem_shared>> -> memref<1x1x8x4096xf32, #tpu.memory_space<vmem_shared>>
      %dma_wait3A_191 = tpu.memref_squeeze %dma_wait3A_190 : memref<1x1x8x4096xf32, #tpu.memory_space<vmem_shared>> -> memref<8x4096xf32, #tpu.memory_space<vmem_shared>>
      tpu.wait_dma2 semaphore(%arg10 : memref<!tpu.dma_semaphore, #tpu.memory_space<semaphore_mem>>) src(%dma_wait3A_191 : memref<8x4096xf32, #tpu.memory_space<vmem_shared>>) dst(%dma_wait3A_187 : memref<8x4096xf32, #tpu.memory_space<hbm>>)
      %lt3A_192 = arith.constant 15 : i32
      %lt3A_193 = arith.cmpi slt, %scan3A_75, %lt3A_192 : i32
      %convert_element_type3A = arith.extui %lt3A_193 : i1 to i32
      %cond3A = arith.constant 0 : i32
      %cond3A_194 = arith.cmpi ne, %convert_element_type3A, %cond3A : i32
      scf.if %cond3A_194 {
        %add3A_316 = arith.constant 2 : i32
        %add3A_317 = arith.addi %add3A_79, %add3A_316 : i32
        %jit3A_318 = arith.constant 1 : i32
        %div3A_319 = arith.divsi %add3A_317, %jit3A_318 : i32
        %sign3A_320 = arith.constant 0 : i32
        %sign3A_321 = arith.cmpi sgt, %add3A_317, %sign3A_320 : i32
        %sign3A_322 = arith.extui %sign3A_321 : i1 to i32
        %sign3A_323 = arith.constant 0 : i32
        %sign3A_324 = arith.cmpi slt, %add3A_317, %sign3A_323 : i32
        %sign3A_325 = arith.extui %sign3A_324 : i1 to i32
        %sign3A_326 = arith.subi %sign3A_322, %sign3A_325 : i32
        %sign3A_327 = arith.constant 0 : i32
        %sign3A_328 = arith.cmpi sgt, %jit3A_318, %sign3A_327 : i32
        %sign3A_329 = arith.extui %sign3A_328 : i1 to i32
        %sign3A_330 = arith.constant 0 : i32
        %sign3A_331 = arith.cmpi slt, %jit3A_318, %sign3A_330 : i32
        %sign3A_332 = arith.extui %sign3A_331 : i1 to i32
        %sign3A_333 = arith.subi %sign3A_329, %sign3A_332 : i32
        %ne3A_334 = arith.cmpi ne, %sign3A_326, %sign3A_333 : i32
        %rem3A_335 = arith.remsi %add3A_317, %jit3A_318 : i32
        %ne3A_336 = arith.constant 0 : i32
        %ne3A_337 = arith.cmpi ne, %rem3A_335, %ne3A_336 : i32
        %and3A_338 = arith.andi %ne3A_334, %ne3A_337 : i1
        %sub3A_339 = arith.constant 1 : i32
        %sub3A_340 = arith.subi %div3A_319, %sub3A_339 : i32
        %select_n3A_341 = arith.select %and3A_338, %sub3A_340, %div3A_319 : i32
        %jit3A_342 = arith.constant 1 : i32
        %eq3A_343 = arith.constant 0 : i32
        %eq3A_344 = arith.cmpi eq, %jit3A_342, %eq3A_343 : i32
        %jit3A_345 = arith.constant 1 : i32
        %select_n3A_346 = arith.select %eq3A_344, %jit3A_345, %jit3A_342 : i32
        %rem3A_347 = arith.remsi %add3A_317, %select_n3A_346 : i32
        %ne3A_348 = arith.constant 0 : i32
        %ne3A_349 = arith.cmpi ne, %rem3A_347, %ne3A_348 : i32
        %lt3A_350 = arith.constant 0 : i32
        %lt3A_351 = arith.cmpi slt, %rem3A_347, %lt3A_350 : i32
        %lt3A_352 = arith.constant 0 : i32
        %lt3A_353 = arith.cmpi slt, %select_n3A_346, %lt3A_352 : i32
        %ne3A_354 = arith.xori %lt3A_351, %lt3A_353 : i1
        %and3A_355 = arith.andi %ne3A_354, %ne3A_349 : i1
        %add3A_356 = arith.addi %rem3A_347, %select_n3A_346 : i32
        %select_n3A_357 = arith.select %and3A_355, %add3A_356, %rem3A_347 : i32
        %mul3A_358 = arith.constant 8 : i32
        %mul3A_359 = arith.muli %select_n3A_341, %mul3A_358 : i32
        %add3A_360 = arith.addi %mul3A_32, %mul3A_359 : i32
        %multiple_of3A_361 = tpu.assume_multiple %add3A_360, 8 : i32
        %mul3A_362 = arith.constant 4096 : i32
        %mul3A_363 = arith.muli %select_n3A_357, %mul3A_362 : i32
        %multiple_of3A_364 = tpu.assume_multiple %mul3A_363, 128 : i32
        %dma_start3A_365 = arith.constant 0 : i32
        %dma_start3A_366 = arith.constant 0 : i32
        %dma_start3A_367 = tpu.memref_slice %arg6[%arg1, %scan3A_68, %dma_start3A_365, %dma_start3A_366] : memref<16x2x8x4096xf32, #tpu.memory_space<vmem_shared>> -> memref<1x1x8x4096xf32, #tpu.memory_space<vmem_shared>>
        %dma_start3A_368 = tpu.memref_squeeze %dma_start3A_367 : memref<1x1x8x4096xf32, #tpu.memory_space<vmem_shared>> -> memref<8x4096xf32, #tpu.memory_space<vmem_shared>>
        %dma_start3A_369 = tpu.memref_slice %arg2[%select_n3A, %multiple_of3A_361, %multiple_of3A_364] : memref<4x2048x4096xf32, #tpu.memory_space<hbm>> -> memref<1x8x4096xf32, #tpu.memory_space<hbm>>
        %dma_start3A_370 = tpu.memref_squeeze %dma_start3A_369 : memref<1x8x4096xf32, #tpu.memory_space<hbm>> -> memref<8x4096xf32, #tpu.memory_space<hbm>>
        tpu.enqueue_dma source(%dma_start3A_370 : memref<8x4096xf32, #tpu.memory_space<hbm>>) target(%dma_start3A_368 : memref<8x4096xf32, #tpu.memory_space<vmem_shared>>) target_semaphore(%arg8 : memref<!tpu.dma_semaphore, #tpu.memory_space<semaphore_mem>>)
      } else {
      }
      %mul3A_195 = arith.constant 2 : i32
      %mul3A_196 = arith.muli %scan3A_75, %mul3A_195 : i32
      %add3A_197 = arith.constant 1 : i32
      %add3A_198 = arith.addi %mul3A_196, %add3A_197 : i32
      %jit3A_199 = arith.constant 1 : i32
      %div3A_200 = arith.divsi %add3A_198, %jit3A_199 : i32
      %sign3A_201 = arith.constant 0 : i32
      %sign3A_202 = arith.cmpi sgt, %add3A_198, %sign3A_201 : i32
      %sign3A_203 = arith.extui %sign3A_202 : i1 to i32
      %sign3A_204 = arith.constant 0 : i32
      %sign3A_205 = arith.cmpi slt, %add3A_198, %sign3A_204 : i32
      %sign3A_206 = arith.extui %sign3A_205 : i1 to i32
      %sign3A_207 = arith.subi %sign3A_203, %sign3A_206 : i32
      %sign3A_208 = arith.constant 0 : i32
      %sign3A_209 = arith.cmpi sgt, %jit3A_199, %sign3A_208 : i32
      %sign3A_210 = arith.extui %sign3A_209 : i1 to i32
      %sign3A_211 = arith.constant 0 : i32
      %sign3A_212 = arith.cmpi slt, %jit3A_199, %sign3A_211 : i32
      %sign3A_213 = arith.extui %sign3A_212 : i1 to i32
      %sign3A_214 = arith.subi %sign3A_210, %sign3A_213 : i32
      %ne3A_215 = arith.cmpi ne, %sign3A_207, %sign3A_214 : i32
      %rem3A_216 = arith.remsi %add3A_198, %jit3A_199 : i32
      %ne3A_217 = arith.constant 0 : i32
      %ne3A_218 = arith.cmpi ne, %rem3A_216, %ne3A_217 : i32
      %and3A_219 = arith.andi %ne3A_215, %ne3A_218 : i1
      %sub3A_220 = arith.constant 1 : i32
      %sub3A_221 = arith.subi %div3A_200, %sub3A_220 : i32
      %select_n3A_222 = arith.select %and3A_219, %sub3A_221, %div3A_200 : i32
      %jit3A_223 = arith.constant 1 : i32
      %eq3A_224 = arith.constant 0 : i32
      %eq3A_225 = arith.cmpi eq, %jit3A_223, %eq3A_224 : i32
      %jit3A_226 = arith.constant 1 : i32
      %select_n3A_227 = arith.select %eq3A_225, %jit3A_226, %jit3A_223 : i32
      %rem3A_228 = arith.remsi %add3A_198, %select_n3A_227 : i32
      %ne3A_229 = arith.constant 0 : i32
      %ne3A_230 = arith.cmpi ne, %rem3A_228, %ne3A_229 : i32
      %lt3A_231 = arith.constant 0 : i32
      %lt3A_232 = arith.cmpi slt, %rem3A_228, %lt3A_231 : i32
      %lt3A_233 = arith.constant 0 : i32
      %lt3A_234 = arith.cmpi slt, %select_n3A_227, %lt3A_233 : i32
      %ne3A_235 = arith.xori %lt3A_232, %lt3A_234 : i1
      %and3A_236 = arith.andi %ne3A_235, %ne3A_230 : i1
      %add3A_237 = arith.addi %rem3A_228, %select_n3A_227 : i32
      %select_n3A_238 = arith.select %and3A_236, %add3A_237, %rem3A_228 : i32
      %mul3A_239 = arith.constant 8 : i32
      %mul3A_240 = arith.muli %select_n3A_222, %mul3A_239 : i32
      %add3A_241 = arith.addi %mul3A_32, %mul3A_240 : i32
      %multiple_of3A_242 = tpu.assume_multiple %add3A_241, 8 : i32
      %mul3A_243 = arith.constant 4096 : i32
      %mul3A_244 = arith.muli %select_n3A_238, %mul3A_243 : i32
      %multiple_of3A_245 = tpu.assume_multiple %mul3A_244, 128 : i32
      %dma_wait3A_246 = arith.constant 0 : i32
      %dma_wait3A_247 = arith.constant 0 : i32
      %dma_wait3A_248 = tpu.memref_slice %arg6[%arg1, %scan3A_69, %dma_wait3A_246, %dma_wait3A_247] : memref<16x2x8x4096xf32, #tpu.memory_space<vmem_shared>> -> memref<1x1x8x4096xf32, #tpu.memory_space<vmem_shared>>
      %dma_wait3A_249 = tpu.memref_squeeze %dma_wait3A_248 : memref<1x1x8x4096xf32, #tpu.memory_space<vmem_shared>> -> memref<8x4096xf32, #tpu.memory_space<vmem_shared>>
      %dma_wait3A_250 = tpu.memref_slice %arg2[%select_n3A, %multiple_of3A_242, %multiple_of3A_245] : memref<4x2048x4096xf32, #tpu.memory_space<hbm>> -> memref<1x8x4096xf32, #tpu.memory_space<hbm>>
      %dma_wait3A_251 = tpu.memref_squeeze %dma_wait3A_250 : memref<1x8x4096xf32, #tpu.memory_space<hbm>> -> memref<8x4096xf32, #tpu.memory_space<hbm>>
      tpu.wait_dma2 semaphore(%arg9 : memref<!tpu.dma_semaphore, #tpu.memory_space<semaphore_mem>>) src(%dma_wait3A_251 : memref<8x4096xf32, #tpu.memory_space<hbm>>) dst(%dma_wait3A_249 : memref<8x4096xf32, #tpu.memory_space<vmem_shared>>)
      %jit3A_252 = arith.constant 1 : i32
      %div3A_253 = arith.divsi %add3A_198, %jit3A_252 : i32
      %sign3A_254 = arith.constant 0 : i32
      %sign3A_255 = arith.cmpi sgt, %add3A_198, %sign3A_254 : i32
      %sign3A_256 = arith.extui %sign3A_255 : i1 to i32
      %sign3A_257 = arith.constant 0 : i32
      %sign3A_258 = arith.cmpi slt, %add3A_198, %sign3A_257 : i32
      %sign3A_259 = arith.extui %sign3A_258 : i1 to i32
      %sign3A_260 = arith.subi %sign3A_256, %sign3A_259 : i32
      %sign3A_261 = arith.constant 0 : i32
      %sign3A_262 = arith.cmpi sgt, %jit3A_252, %sign3A_261 : i32
      %sign3A_263 = arith.extui %sign3A_262 : i1 to i32
      %sign3A_264 = arith.constant 0 : i32
      %sign3A_265 = arith.cmpi slt, %jit3A_252, %sign3A_264 : i32
      %sign3A_266 = arith.extui %sign3A_265 : i1 to i32
      %sign3A_267 = arith.subi %sign3A_263, %sign3A_266 : i32
      %ne3A_268 = arith.cmpi ne, %sign3A_260, %sign3A_267 : i32
      %rem3A_269 = arith.remsi %add3A_198, %jit3A_252 : i32
      %ne3A_270 = arith.constant 0 : i32
      %ne3A_271 = arith.cmpi ne, %rem3A_269, %ne3A_270 : i32
      %and3A_272 = arith.andi %ne3A_268, %ne3A_271 : i1
      %sub3A_273 = arith.constant 1 : i32
      %sub3A_274 = arith.subi %div3A_253, %sub3A_273 : i32
      %select_n3A_275 = arith.select %and3A_272, %sub3A_274, %div3A_253 : i32
      %jit3A_276 = arith.constant 1 : i32
      %eq3A_277 = arith.constant 0 : i32
      %eq3A_278 = arith.cmpi eq, %jit3A_276, %eq3A_277 : i32
      %jit3A_279 = arith.constant 1 : i32
      %select_n3A_280 = arith.select %eq3A_278, %jit3A_279, %jit3A_276 : i32
      %rem3A_281 = arith.remsi %add3A_198, %select_n3A_280 : i32
      %ne3A_282 = arith.constant 0 : i32
      %ne3A_283 = arith.cmpi ne, %rem3A_281, %ne3A_282 : i32
      %lt3A_284 = arith.constant 0 : i32
      %lt3A_285 = arith.cmpi slt, %rem3A_281, %lt3A_284 : i32
      %lt3A_286 = arith.constant 0 : i32
      %lt3A_287 = arith.cmpi slt, %select_n3A_280, %lt3A_286 : i32
      %ne3A_288 = arith.xori %lt3A_285, %lt3A_287 : i1
      %and3A_289 = arith.andi %ne3A_288, %ne3A_283 : i1
      %add3A_290 = arith.addi %rem3A_281, %select_n3A_280 : i32
      %select_n3A_291 = arith.select %and3A_289, %add3A_290, %rem3A_281 : i32
      %mul3A_292 = arith.constant 8 : i32
      %mul3A_293 = arith.muli %select_n3A_275, %mul3A_292 : i32
      %add3A_294 = arith.addi %mul3A_32, %mul3A_293 : i32
      %multiple_of3A_295 = tpu.assume_multiple %add3A_294, 8 : i32
      %mul3A_296 = arith.constant 4096 : i32
      %mul3A_297 = arith.muli %select_n3A_291, %mul3A_296 : i32
      %multiple_of3A_298 = tpu.assume_multiple %mul3A_297, 128 : i32
      %dma_start3A_299 = tpu.memref_slice %arg4[%squeeze3A, %multiple_of3A_295, %multiple_of3A_298] : memref<4x2048x4096xf32, #tpu.memory_space<hbm>> -> memref<1x8x4096xf32, #tpu.memory_space<hbm>>
      %dma_start3A_300 = tpu.memref_squeeze %dma_start3A_299 : memref<1x8x4096xf32, #tpu.memory_space<hbm>> -> memref<8x4096xf32, #tpu.memory_space<hbm>>
      %dma_start3A_301 = arith.constant 0 : i32
      %dma_start3A_302 = arith.constant 0 : i32
      %dma_start3A_303 = tpu.memref_slice %arg6[%arg1, %scan3A_69, %dma_start3A_301, %dma_start3A_302] : memref<16x2x8x4096xf32, #tpu.memory_space<vmem_shared>> -> memref<1x1x8x4096xf32, #tpu.memory_space<vmem_shared>>
      %dma_start3A_304 = tpu.memref_squeeze %dma_start3A_303 : memref<1x1x8x4096xf32, #tpu.memory_space<vmem_shared>> -> memref<8x4096xf32, #tpu.memory_space<vmem_shared>>
      tpu.enqueue_dma source(%dma_start3A_304 : memref<8x4096xf32, #tpu.memory_space<vmem_shared>>) target(%dma_start3A_300 : memref<8x4096xf32, #tpu.memory_space<hbm>>) target_semaphore(%arg11 : memref<!tpu.dma_semaphore, #tpu.memory_space<semaphore_mem>>)
      %dma_wait3A_305 = tpu.memref_slice %arg4[%squeeze3A, %multiple_of3A_295, %multiple_of3A_298] : memref<4x2048x4096xf32, #tpu.memory_space<hbm>> -> memref<1x8x4096xf32, #tpu.memory_space<hbm>>
      %dma_wait3A_306 = tpu.memref_squeeze %dma_wait3A_305 : memref<1x8x4096xf32, #tpu.memory_space<hbm>> -> memref<8x4096xf32, #tpu.memory_space<hbm>>
      %dma_wait3A_307 = arith.constant 0 : i32
      %dma_wait3A_308 = arith.constant 0 : i32
      %dma_wait3A_309 = tpu.memref_slice %arg6[%arg1, %scan3A_69, %dma_wait3A_307, %dma_wait3A_308] : memref<16x2x8x4096xf32, #tpu.memory_space<vmem_shared>> -> memref<1x1x8x4096xf32, #tpu.memory_space<vmem_shared>>
      %dma_wait3A_310 = tpu.memref_squeeze %dma_wait3A_309 : memref<1x1x8x4096xf32, #tpu.memory_space<vmem_shared>> -> memref<8x4096xf32, #tpu.memory_space<vmem_shared>>
      tpu.wait_dma2 semaphore(%arg11 : memref<!tpu.dma_semaphore, #tpu.memory_space<semaphore_mem>>) src(%dma_wait3A_310 : memref<8x4096xf32, #tpu.memory_space<vmem_shared>>) dst(%dma_wait3A_306 : memref<8x4096xf32, #tpu.memory_space<hbm>>)
      %lt3A_311 = arith.constant 15 : i32
      %lt3A_312 = arith.cmpi slt, %scan3A_75, %lt3A_311 : i32
      %convert_element_type3A_313 = arith.extui %lt3A_312 : i1 to i32
      %cond3A_314 = arith.constant 0 : i32
      %cond3A_315 = arith.cmpi ne, %convert_element_type3A_313, %cond3A_314 : i32
      scf.if %cond3A_315 {
        %add3A_316 = arith.constant 2 : i32
        %add3A_317 = arith.addi %add3A_198, %add3A_316 : i32
        %jit3A_318 = arith.constant 1 : i32
        %div3A_319 = arith.divsi %add3A_317, %jit3A_318 : i32
        %sign3A_320 = arith.constant 0 : i32
        %sign3A_321 = arith.cmpi sgt, %add3A_317, %sign3A_320 : i32
        %sign3A_322 = arith.extui %sign3A_321 : i1 to i32
        %sign3A_323 = arith.constant 0 : i32
        %sign3A_324 = arith.cmpi slt, %add3A_317, %sign3A_323 : i32
        %sign3A_325 = arith.extui %sign3A_324 : i1 to i32
        %sign3A_326 = arith.subi %sign3A_322, %sign3A_325 : i32
        %sign3A_327 = arith.constant 0 : i32
        %sign3A_328 = arith.cmpi sgt, %jit3A_318, %sign3A_327 : i32
        %sign3A_329 = arith.extui %sign3A_328 : i1 to i32
        %sign3A_330 = arith.constant 0 : i32
        %sign3A_331 = arith.cmpi slt, %jit3A_318, %sign3A_330 : i32
        %sign3A_332 = arith.extui %sign3A_331 : i1 to i32
        %sign3A_333 = arith.subi %sign3A_329, %sign3A_332 : i32
        %ne3A_334 = arith.cmpi ne, %sign3A_326, %sign3A_333 : i32
        %rem3A_335 = arith.remsi %add3A_317, %jit3A_318 : i32
        %ne3A_336 = arith.constant 0 : i32
        %ne3A_337 = arith.cmpi ne, %rem3A_335, %ne3A_336 : i32
        %and3A_338 = arith.andi %ne3A_334, %ne3A_337 : i1
        %sub3A_339 = arith.constant 1 : i32
        %sub3A_340 = arith.subi %div3A_319, %sub3A_339 : i32
        %select_n3A_341 = arith.select %and3A_338, %sub3A_340, %div3A_319 : i32
        %jit3A_342 = arith.constant 1 : i32
        %eq3A_343 = arith.constant 0 : i32
        %eq3A_344 = arith.cmpi eq, %jit3A_342, %eq3A_343 : i32
        %jit3A_345 = arith.constant 1 : i32
        %select_n3A_346 = arith.select %eq3A_344, %jit3A_345, %jit3A_342 : i32
        %rem3A_347 = arith.remsi %add3A_317, %select_n3A_346 : i32
        %ne3A_348 = arith.constant 0 : i32
        %ne3A_349 = arith.cmpi ne, %rem3A_347, %ne3A_348 : i32
        %lt3A_350 = arith.constant 0 : i32
        %lt3A_351 = arith.cmpi slt, %rem3A_347, %lt3A_350 : i32
        %lt3A_352 = arith.constant 0 : i32
        %lt3A_353 = arith.cmpi slt, %select_n3A_346, %lt3A_352 : i32
        %ne3A_354 = arith.xori %lt3A_351, %lt3A_353 : i1
        %and3A_355 = arith.andi %ne3A_354, %ne3A_349 : i1
        %add3A_356 = arith.addi %rem3A_347, %select_n3A_346 : i32
        %select_n3A_357 = arith.select %and3A_355, %add3A_356, %rem3A_347 : i32
        %mul3A_358 = arith.constant 8 : i32
        %mul3A_359 = arith.muli %select_n3A_341, %mul3A_358 : i32
        %add3A_360 = arith.addi %mul3A_32, %mul3A_359 : i32
        %multiple_of3A_361 = tpu.assume_multiple %add3A_360, 8 : i32
        %mul3A_362 = arith.constant 4096 : i32
        %mul3A_363 = arith.muli %select_n3A_357, %mul3A_362 : i32
        %multiple_of3A_364 = tpu.assume_multiple %mul3A_363, 128 : i32
        %dma_start3A_365 = arith.constant 0 : i32
        %dma_start3A_366 = arith.constant 0 : i32
        %dma_start3A_367 = tpu.memref_slice %arg6[%arg1, %scan3A_69, %dma_start3A_365, %dma_start3A_366] : memref<16x2x8x4096xf32, #tpu.memory_space<vmem_shared>> -> memref<1x1x8x4096xf32, #tpu.memory_space<vmem_shared>>
        %dma_start3A_368 = tpu.memref_squeeze %dma_start3A_367 : memref<1x1x8x4096xf32, #tpu.memory_space<vmem_shared>> -> memref<8x4096xf32, #tpu.memory_space<vmem_shared>>
        %dma_start3A_369 = tpu.memref_slice %arg2[%select_n3A, %multiple_of3A_361, %multiple_of3A_364] : memref<4x2048x4096xf32, #tpu.memory_space<hbm>> -> memref<1x8x4096xf32, #tpu.memory_space<hbm>>
        %dma_start3A_370 = tpu.memref_squeeze %dma_start3A_369 : memref<1x8x4096xf32, #tpu.memory_space<hbm>> -> memref<8x4096xf32, #tpu.memory_space<hbm>>
        tpu.enqueue_dma source(%dma_start3A_370 : memref<8x4096xf32, #tpu.memory_space<hbm>>) target(%dma_start3A_368 : memref<8x4096xf32, #tpu.memory_space<vmem_shared>>) target_semaphore(%arg9 : memref<!tpu.dma_semaphore, #tpu.memory_space<semaphore_mem>>)
      } else {
      }
    }
    %scan3A_74 = arith.constant 16 : i32
    return
  }
}

</mosaic_0001>

<sc_bundles>
// kernel: kernel.3.cloned.1.call-start
scs
__scs_entry_jumppad:
0x0: {  	(pc) =	sbr.rel $0x88, $3  }
0x1: {  	(tag) =	ssettag $0x0;
	lr =	simm.s32 $0x1  }
0x2: {  	[smem:$0x3FA0] =	sst lr;
	_ =	strace $0xD0000000  }
0x3: {  	_ = 	snop  }
0x4: {  	_ = 	snop  }
0x5: {  	_ = 	snop  }
0x6: {  	_ = 	snop  }
0x7: {  	_ = 	snop  }
__scs_overlays_trampoline_lowered:
0x8: {  	[smem:$0x3FAF] =	sst s0  }
0x9: {  	[smem:$0x3FB0] =	sst s1  }
0xa: {  	[smem:$0x3FB1] =	sst s2  }
0xb: {  	[smem:$0x3FB2] =	sst s3  }
0xc: {  	[smem:$0x3FB3] =	sst s4  }
0xd: {  	[smem:$0x3FB4] =	sst s5  }
0xe: {  	[smem:$0x3FB5] =	sst s6  }
0xf: {  	[smem:$0x3FB6] =	sst s7  }
0x10: {  	[smem:$0x3FB7] =	sst s8  }
0x11: {  	[smem:$0x3FB8] =	sst s9;
	s0 =	simm.s32 @!p0 $0x0  }
0x12: {  	s1 =	sld [smem:$0x3F9E];
	s0 =	simm.s32 @p0 $0x1  }
0x13: {  	[smem:$0x3FB9] =	sst s0;
	s0 =	simm.s32 @!p1 $0x0  }
0x14: {  	s2 =	sld [smem:$0x3F9D];
	s0 =	simm.s32 @p1 $0x1  }
0x15: {  	[smem:$0x3FBA] =	sst s0;
	s0 =	simm.s32 @!p2 $0x0  }
0x16: {  	s3 =	sld [smem:$0x3FDB];
	s0 =	simm.s32 @p2 $0x1  }
0x17: {  	s4 =	simm.s32 $0x1BF5;
	[smem:$0x3FBC] =	sst s0  }
0x18: {  	s0 =	sld [smem:$0x3F9F];
	_ =	swait.ge [sflag:s4], $0x0  }
0x19: {  	s7 =	sld [smem:$0x3FA0]  }
0x1a: {  	s8 =	sadd.s32 $0xFFFFE003, lr  }
0x1b: {  	s9 =	sadd.s32 $0xFFFFFEF7, lr;
	s5 =	simm.s32 $0xFFFFFFFF;
	p2 =	slt.u32 s8, $0xFFFFF086  }
0x1c: {  	p1 =	slt.u32 s9, $0xF7A;
	s5 =	simm.s32 @!p2 $0x0  }
0x1d: {  	s5 =	simm.s32 @p1 $0x1;
	p0 =	seq.s32 s7, s2  }
0x1e: {  	s7 =	smul.u32 @!p0 $0xF7A, s2;
	p2 =	seq.s32 @!p0 s5, $0x0  }
0x1f: {  	s9 =	smul.u32 $0xF7A, s1;
	s8 =	simm.s32 @!p0 $0x1BF5;
	p2 =	por !p2, p0  }
0x20: {  	[sflag:s8] =	ssyncset.s32 @!p0 $0xFFFFF086;
	s6 =	sadd.s32 @!p0 s3, s7;
	s7 =	simm.s32 @!p0 $0x108  }
0x21: {  	s3 =	sadd.s32 s3, s9;
	s6 =	sadd.s32 @!p0 $0x88, s6;
	s7 =	simm.s32 @p2 $0x1082  }
0x22: {  	[simem:s7], [sflag:s8] =	dma.local @!p0 [hbm:s6], $0xF7A  }
0x23: {  	s9 =	sor.u32 $0xD0000000, s2;
	s6 =	simm.s32 $0x108;
	_ =	swait.ge @!p0 [sflag:s8], $0x0  }
0x24: {  	s3 =	sadd.s32 $0x88, s3;
	s6 =	simm.s32 @!p1 $0x1082;
	[sflag:s4] =	ssyncset.s32 $0xFFFFF086  }
0x25: {  	[simem:s6], [sflag:s4] =	dma.local [hbm:s3], $0xF7A  }
0x26: {  	[smem:$0x3FA0] =	sst s1;
	(tag) =	ssettag s2;
	_ =	strace s9  }
0x27: {  	s1 =	sld [smem:$0x3FB0]  }
0x28: {  	s2 =	sld [smem:$0x3FB1]  }
0x29: {  	s4 =	sld [smem:$0x3FB3]  }
0x2a: {  	p0 =	seq.s32 s5, $0x0;
	s5 =	sld [smem:$0x3FB4]  }
0x2b: {  	s6 =	sld [smem:$0x3FB5]  }
0x2c: {  	s7 =	sld [smem:$0x3FB6]  }
0x2d: {  	s3 =	simm.s32 $0x108;
	s8 =	sld [smem:$0x3FB7]  }
0x2e: {  	s3 =	simm.s32 @!p0 $0x1082;
	s9 =	sld [smem:$0x3FB8]  }
0x2f: {  	lr =	sadd.s32 s0, s3;
	s0 =	sld [smem:$0x3FAF]  }
0x30: {  	s3 =	sld [smem:$0x3FB2]  }
0x31: {  	[smem:$0x3FBB] =	sst s10  }
0x32: {  	s10 =	sld [smem:$0x3FB9];
	_ =	sdelay $0x3  }
0x33: {  	p0 =	seq.s32 s10, $0x1;
	s10 =	sld [smem:$0x3FBB];
	_ =	sdelay $0x3  }
0x34: {  	[smem:$0x3FBB] =	sst s10  }
0x35: {  	s10 =	sld [smem:$0x3FBA];
	_ =	sdelay $0x3  }
0x36: {  	p1 =	seq.s32 s10, $0x1;
	s10 =	sld [smem:$0x3FBB];
	_ =	sdelay $0x3  }
0x37: {  	[smem:$0x3FBB] =	sst s10  }
0x38: {  	s10 =	sld [smem:$0x3FBC]  }
0x39: {  	_ = 	snop;
	(pc) =	sbr.ind lr, $3  }
0x3a: {  	_ = 	snop  }
0x3b: {  	_ = 	snop  }
0x3c: {  	p2 =	seq.s32 s10, $0x1;
	s10 =	sld [smem:$0x3FBB]  }
0x3d: {  	_ =	shalt  }
0x3e: {  	_ =	shalt  }
0x3f: {  	_ =	shalt  }
0x40: {  	_ =	shalt  }
0x41: {  	_ =	shalt  }
0x42: {  	_ =	shalt  }
0x43: {  	_ =	shalt  }
0x44: {  	_ =	shalt  }
0x45: {  	_ =	shalt  }
0x46: {  	_ =	shalt  }
0x47: {  	_ =	shalt  }
0x48: {  	_ =	shalt  }
0x49: {  	_ =	shalt  }
0x4a: {  	_ =	shalt  }
0x4b: {  	_ =	shalt  }
0x4c: {  	_ =	shalt  }
0x4d: {  	_ =	shalt  }
0x4e: {  	_ =	shalt  }
0x4f: {  	_ =	shalt  }
0x50: {  	_ =	shalt  }
0x51: {  	_ =	shalt  }
0x52: {  	_ =	shalt  }
0x53: {  	_ =	shalt  }
0x54: {  	_ =	shalt  }
0x55: {  	_ =	shalt  }
0x56: {  	_ =	shalt  }
0x57: {  	_ =	shalt  }
0x58: {  	_ =	shalt  }
0x59: {  	_ =	shalt  }
0x5a: {  	_ =	shalt  }
0x5b: {  	_ =	shalt  }
0x5c: {  	_ =	shalt  }
0x5d: {  	_ =	shalt  }
0x5e: {  	_ =	shalt  }
0x5f: {  	_ =	shalt  }
0x60: {  	_ =	shalt  }
0x61: {  	_ =	shalt  }
0x62: {  	_ =	shalt  }
0x63: {  	_ =	shalt  }
0x64: {  	_ =	shalt  }
0x65: {  	_ =	shalt  }
0x66: {  	_ =	shalt  }
0x67: {  	_ =	shalt  }
0x68: {  	_ =	shalt  }
0x69: {  	_ =	shalt  }
0x6a: {  	_ =	shalt  }
0x6b: {  	_ =	shalt  }
0x6c: {  	_ =	shalt  }
0x6d: {  	_ =	shalt  }
0x6e: {  	_ =	shalt  }
0x6f: {  	_ =	shalt  }
0x70: {  	_ =	shalt  }
0x71: {  	_ =	shalt  }
0x72: {  	_ =	shalt  }
0x73: {  	_ =	shalt  }
0x74: {  	_ =	shalt  }
0x75: {  	_ =	shalt  }
0x76: {  	_ =	shalt  }
0x77: {  	_ =	shalt  }
0x78: {  	_ =	shalt  }
0x79: {  	_ =	shalt  }
0x7a: {  	_ =	shalt  }
0x7b: {  	_ =	shalt  }
0x7c: {  	_ =	shalt  }
0x7d: {  	_ =	shalt  }
0x7e: {  	_ =	shalt  }
0x7f: {  	_ =	shalt  }
0x80: {  	_ =	shalt  }
0x81: {  	_ =	shalt  }
0x82: {  	_ =	shalt  }
0x83: {  	_ =	shalt  }
0x84: {  	_ =	shalt  }
0x85: {  	_ =	shalt  }
0x86: {  	_ =	shalt  }
0x87: {  	_ =	shalt  }
.Lfunc_end0:
.L_simem_size_0:
called_computation_lowered:
.L_overlay_start_0:
0x88: {  	s2 =	sld [smem:$0x3FD9]  }
0x89: {  	s3 =	sld [smem:$0x3FFE];
	_ =	sdelay $0x1  }
0x8a: {  	s1 =	srdreg.scid  }
0x8b: {  	s0 =	sand.u32 $0x1, s1  }
0x8c: {  	s17 =	sshll.u32 s0, $0xA;
	s2 =	sadd.s32 s3, s2  }
0x8d: {  	s2 =	sadd.s32 s2, s17  }
0x8e: {  	[smem:$0x3FC7] =	sst s2  }
0x8f: {  	_ = 	snop  }
0x90: {  	s2 =	sld [smem:$0x3FC9]  }
0x91: {  	s18 =	sld [smem:$0x3FD0];
	(tm) =	ssettm $0x1  }
0x92: {  	s4 =	sld [smem:$0x3FFB];
	_ =	sdelay $0x3  }
0x93: {  	_ =	strace s4  }
0x94: {  	s4 =	sld [smem:$0x3FFC];
	_ =	sdelay $0x3  }
0x95: {  	_ =	strace s4  }
0x96: {  	s4 =	sld [smem:$0x3FFD];
	_ =	sdelay $0x3  }
0x97: {  	_ =	strace s4  }
0x98: {  	_ =	strace $0x8FFFFFFF  }
0x99: {  	s19 =	sld [smem:$0x3FDB];
	_ =	sdelay $0x1  }
0x9a: {  	s5 =	simm.s32 $_scs_section_size  }
0x9b: {  	s6 =	simm.s32 $_size__tile_overlayer_lowered;
	s7 =	simm.s32 $_tile_overlayer_lowered  }
0x9c: {  	s22 =	simm.s32 $0x1BFF;
	s21 =	sshll.u32 s7, $0x1;
	s4 =	sadd.s32 s5, s19  }
0x9d: {  	s8 =	simm.s32 $0x0;
	s20 =	sshll.u32 s6, $0x1;
	s6 =	sadd.s32 s21, s4  }
0x9e: {  	[timem:s8], [sflag:s22] =	dma.local [hbm:s6], s20  }
0x9f: {  	_ =	swait.ge [sflag:s22], s20  }
0xa0: {  	s5 =	ssub.s32 $0x0, s20;
	[sflag:s22] =	ssyncset.done $0x0  }
0xa1: {  	[sflag:s22] =	ssyncadd.s32 s5;
	_ =	sdelay $0x1  }
0xa2: {  	s23 =	simm.s32 $0x1B8B  }
0xa3: {  	_ =	swait.ge [sflag:s23], $0x1  }
0xa4: {  	[sflag:s23] =	ssyncset.done $0x0  }
0xa5: {  	s25 =	simm.s32 $0x1B8E;
	s24 =	sld [smem:$0x3FFE];
	[sflag:s23] =	ssyncadd.s32 $0xFFFFFFFF  }
0xa6: {  	s26 =	simm.s32 $execute0_lowered;
	[smem:$0x3FD2] =	sst s25  }
0xa7: {  	s6 =	sshll.u32 s26, $0x1;
	_ =	strace $0x80000046;
	[dreg:$0x1] =	wrdreg $0xFFFFFFFF  }
0xa8: {  	s28 =	simm.s32 $_size_execute0_lowered;
	s4 =	sadd.s32 s4, s6;
	[dreg:$0x0] =	wrdreg $0x0  }
0xa9: {  	s6 =	sshll.u32 s28, $0x1;
	[dreg:$0x2] =	wrdreg s4  }
0xaa: {  	[dreg:$0x3] =	wrdreg s6  }
0xab: {  	[dreg:$0x4] =	wrdreg $0xC0  }
0xac: {  	_ =	task [dreg:s8], $0x5FFFF  }
0xad: {  	[dreg:$0x1] =	wrdreg $0xFFFFFFFF  }
0xae: {  	[dreg:$0x0] =	wrdreg $0x60  }
0xaf: {  	[dreg:$0x2] =	wrdreg s2  }
0xb0: {  	[dreg:$0x3] =	wrdreg s24  }
0xb1: {  	[dreg:$0x4] =	wrdreg s18  }
0xb2: {  	[dreg:$0x5] =	wrdreg $0x800  }
0xb3: {  	[dreg:$0x6] =	wrdreg $0x9  }
0xb4: {  	_ =	task.clear_ibuf [dreg:s8], $0x7FFFF;
	_ =	strace $0x90000046  }
0xb5: {  	s29 =	simm.s32 $0x9;
	_ =	strace $0x80000048  }
0xb6: {  	_ =	swait.ge [sflag:s29], $0x1  }
0xb7: {  	[sflag:s29] =	ssyncadd.s32 $0xFFFFFFFF  }
0xb8: {  	_ =	strace $0x90000048  }
0xb9: {  	_ =	sfence  }
0xba: {  	s30 =	sld [smem:$0x0];
	_ =	sdelay $0x2  }
0xbb: {  	s31 =	sshll.u32 s1, $0xD;
	s1 =	sshrl.u32 s1, $0x2  }
0xbc: {  	s3 =	sand.u32 $0x4000, s31;
	s1 =	sadd.s32 s1, s30  }
0xbd: {  	s0 =	sor.u32 s3, s0;
	s1 =	sshll.u32 s1, $0x11  }
0xbe: {  	s0 =	sor.u32 s1, s0  }
0xbf: {  	s0 =	sadd.s32 $0x8F2B, s0  }
0xc0: {  	[sflag:s0] =	ssyncadd.remote.s32 $0x1  }
0xc1: {  	_ =	sfence.sel $0xFFFF  }
0xc2: {  	[dreg:$0x0] =	wrdreg $0xFFFFFFFF;
	(pc) =	sbr.abs _section_cstart, $3  }
0xc3: {  	[dreg:$0x1] =	wrdreg $0xFFFFFFFF  }
0xc4: {  	_ =	task.clear_ibuf [dreg:s8], $0x2FFFF;
	_ =	strace $0x9FFFFFFF  }
0xc5: {  	(tm) =	ssettm $0x7FFFFFFF  }
tec
execute0_lowered:
.L_overlay_start_1:
0x0: {  	(tag) =	ssettag $0x1  }
0x1: {  	s12 =	rddreg [dreg:$0x0]  }
0x2: {  	s4 =	rddreg [dreg:$0x1]  }
0x3: {  	s1 =	rddreg [dreg:$0x2]  }
0x4: {  	s5 =	rddreg [dreg:$0x3]  }
0x5: {  	s0 =	rddreg [dreg:$0x4];
	s6 =	srdreg.scid  }
0x6: {  	s3 =	simm.s32 $0x0;
	s2 =	stileid.u32;
	s17 =	simm.s32 $0x1  }
0x7: {  	s18 =	simm.s32 $0x2;
	s20 =	simm.s32 $0x4;
	s21 =	simm.s32 $0x3  }
0x8: {  	s6 =	sand.u32 $0x1, s6;
	[smem:$0x7FF] =	sst s3;
	s8 =	sshll.u32 s2, $0x1  }
0x9: {  	s24 =	sshll.u32 s2, $0x4;
	s26 =	sshll.u32 s2, $0x10;
	s28 =	sshll.u32 s2, $0x15  }
0xa: {  	s30 =	sand.u32 $0x3, s2;
	s22 =	sshll.u32 s2, $0x6;
	s7 =	ssub.s32 $0x2, s6  }
0xb: {  	_ =	strace $0x80000047;
	s8 =	sand.u32 $0x6, s8;
	s25 =	sshll.u32 s6, $0x8  }
0xc: {  	s4 =	sadd.s32 s4, s24;
	s14 =	sadd.s32 s26, s5;
	s29 =	sand.u32 $0x1800000, s28  }
0xd: {  	s15 =	sor.u32 $0x1C03, s22;
	s19 =	sor.u32 $0x1C04, s22;
	s24 =	simm.s32 $0x0  }
0xe: {  	s9 =	sshrl.u32 s7, $0x1;
	s23 =	sor.u32 s6, s8;
	s4 =	sadd.s32 s25, s4  }
0xf: {  	s6 =	sshll.u32 s6, $0x14;
	s16 =	sadd.s32 $0x8000, s14;
	s14 =	sshrl.u32 s14, $0x3  }
0x10: {  	s10 =	ssub.s32 s7, s9;
	s5 =	sshll.u32 s23, $0x14;
	s7 =	sshll.u32 s30, $0x15  }
0x11: {  	s16 =	sshrl.u32 s16, $0x3;
	s23 =	simm.s32 $0x5;
	s31 =	sor.u32 s29, s5  }
0x12: {  	s6 =	sor.u32 s6, s7;
	s10 =	smax.u32 s10, $0x1;
	s8 =	sshrl.u32 s31, $0x3  }
0x13: {  	s9 =	sor.u32 s29, s6;
	s7 =	sadd.s32 s12, s8;
	s8 =	sor.u32 $0x1C02, s22  }
0x14: {  	s11 =	sor.u32 $0x18000, s9;
	s13 =	sor.u32 $0x10000, s9;
	s22 =	sor.u32 $0x1C05, s22  }
0x15: {  	s9 =	sadd.s32 $0x1000, s7;
	s11 =	sshrl.u32 s11, $0x3;
	s13 =	sshrl.u32 s13, $0x3  }
0x16: {  	s11 =	sadd.s32 s11, s12;
	s12 =	sadd.s32 s13, s12;
	s13 =	sor.u32 $0x8000, s6  }
.LBB2_1:
0x17: {  	[tilespmem:s3], [sflag:$0x1] =	stream.linear.gather [hbm4b:s4+s3], $0x80, $0x38;
	[tilespmem:$0x10080] =	vst v63  }
0x18: {  	[spmem:s14], [sflag:s8] =	dma.local [hbm:s7], $0x1000  }
0x19: {  	[spmem:s16], [sflag:s15] =	dma.local [hbm:s9], $0x1000  }
0x1a: {  	_ =	swait.ge [sflag:s17], $0x80  }
0x1b: {  	[sflag:s17] =	ssyncset.done $0x0  }
0x1c: {  	[sflag:s17] =	ssyncadd.s32 $0xFFFFFF80  }
0x1d: {  	v0 =	vld [tilespmem:$0x0];
	_ =	sdelay $0x4  }
0x1e: {  	(v2sf) =	vpush v0, $0x0;
	_ =	sdelay $0xe  }
0x1f: {  	s25 =	spop (v2sf)  }
0x20: {  	s28 =	sshll.u32 s25, $0x17  }
0x21: {  	s25 =	sor.u32 s28, s6  }
0x22: {  	_ =	swait.ge [sflag:s18], $0x1000;
	s25 =	sshrl.u32 s25, $0x3  }
0x23: {  	[sflag:s18] =	ssyncset.done $0x0;
	s25 =	sadd.s32 s25, s1  }
0x24: {  	[sflag:s18] =	ssyncadd.s32 $0xFFFFF000;
	s26 =	sadd.s32 $0x0, s25  }
0x25: {  	[hbm:s26], [sflag:s19] =	dma.local [spmem:s14], $0x1000  }
0x26: {  	_ =	swait.ge [sflag:s20], $0x1000  }
0x27: {  	[sflag:s20] =	ssyncset.done $0x0  }
0x28: {  	s29 =	sadd.s32 $0x0, s12;
	s31 =	sor.u32 s28, s13;
	[sflag:s20] =	ssyncadd.s32 $0xFFFFF000  }
0x29: {  	[spmem:s14], [sflag:s8] =	dma.local [hbm:s29], $0x1000  }
0x2a: {  	s26 =	sshrl.u32 s31, $0x3;
	_ =	swait.ge [sflag:s21], $0x1000  }
0x2b: {  	s26 =	sadd.s32 s26, s1;
	[sflag:s21] =	ssyncset.done $0x0  }
0x2c: {  	s29 =	sadd.s32 $0x0, s26;
	[sflag:s21] =	ssyncadd.s32 $0xFFFFF000  }
0x2d: {  	[hbm:s29], [sflag:s22] =	dma.local [spmem:s16], $0x1000  }
0x2e: {  	_ =	swait.ge [sflag:s23], $0x1000  }
0x2f: {  	s30 =	sadd.s32 $0x0, s11;
	[sflag:s23] =	ssyncset.done $0x0  }
0x30: {  	s28 =	sor.u32 s28, s5;
	s29 =	simm.s32 $0x2000;
	[sflag:s23] =	ssyncadd.s32 $0xFFFFF000  }
.LBB2_2:
0x31: {  	[spmem:s16], [sflag:s15] =	dma.local [hbm:s30], $0x1000  }
0x32: {  	s30 =	smov.u32 s29  }
0x33: {  	p0 =	sne.s32 s29, $0x1C000;
	s29 =	sadd.s32 $0x2000, s29;
	_ =	swait.ge [sflag:s18], $0x1000  }
0x34: {  	[sflag:s18] =	ssyncset.done $0x0  }
0x35: {  	s31 =	sadd.s32 s30, s25;
	[sflag:s18] =	ssyncadd.s32 $0xFFFFF000  }
0x36: {  	[hbm:s31], [sflag:s19] =	dma.local [spmem:s14], $0x1000  }
0x37: {  	_ =	swait.ge [sflag:s20], $0x1000  }
0x38: {  	[sflag:s20] =	ssyncset.done $0x0  }
0x39: {  	s31 =	sadd.s32 s30, s12;
	[sflag:s20] =	ssyncadd.s32 $0xFFFFF000  }
0x3a: {  	[spmem:s14], [sflag:s8] =	dma.local [hbm:s31], $0x1000  }
0x3b: {  	_ =	swait.ge [sflag:s21], $0x1000  }
0x3c: {  	[sflag:s21] =	ssyncset.done $0x0  }
.Ltmp0:
0x3d: {  	s31 =	sadd.s32 s30, s26;
	[sflag:s21] =	ssyncadd.s32 $0xFFFFF000;
	(pc) =	sbr.rel @p0 .LBB2_2-.Ltmp0, $4  }
0x3e: {  	[hbm:s31], [sflag:s22] =	dma.local [spmem:s16], $0x1000  }
0x3f: {  	_ =	swait.ge [sflag:s23], $0x1000  }
0x40: {  	[sflag:s23] =	ssyncset.done $0x0  }
0x41: {  	s30 =	sadd.s32 s30, s11;
	[sflag:s23] =	ssyncadd.s32 $0xFFFFF000  }
0x42: {  	[spmem:s16], [sflag:s15] =	dma.local [hbm:s30], $0x1000  }
0x43: {  	s25 =	sshrl.u32 s28, $0x3;
	_ =	swait.ge [sflag:s18], $0x1000  }
0x44: {  	s25 =	sadd.s32 s25, s1;
	[sflag:s18] =	ssyncset.done $0x0  }
0x45: {  	s26 =	sadd.s32 $0x1E000, s25;
	[sflag:s18] =	ssyncadd.s32 $0xFFFFF000  }
0x46: {  	[hbm:s26], [sflag:s19] =	dma.local [spmem:s14], $0x1000  }
0x47: {  	_ =	swait.ge [sflag:s20], $0x1000  }
0x48: {  	[sflag:s20] =	ssyncset.done $0x0  }
0x49: {  	[sflag:s20] =	ssyncadd.s32 $0xFFFFF000  }
0x4a: {  	s24 =	sadd.s32 $0x1, s24;
	_ =	swait.ge [sflag:s21], $0x1000  }
0x4b: {  	p0 =	sne.s32 s24, s10;
	[sflag:s21] =	ssyncset.done $0x0  }
.Ltmp1:
0x4c: {  	s25 =	sadd.s32 $0x1F000, s25;
	[sflag:s21] =	ssyncadd.s32 $0xFFFFF000;
	(pc) =	sbr.rel @p0 .LBB2_1-.Ltmp1, $4  }
0x4d: {  	[hbm:s25], [sflag:s22] =	dma.local [spmem:s16], $0x1000  }
0x4e: {  	_ =	swait.ge [sflag:s23], $0x1000  }
0x4f: {  	[sflag:s23] =	ssyncset.done $0x0  }
0x50: {  	[sflag:s23] =	ssyncadd.s32 $0xFFFFF000  }
0x51: {  	_ =	sfence.sel $0x180000  }
0x52: {  	[bflag:$0x0] =	sbarrier.arrive $0xFFFF  }
0x53: {  	p0 =	sne.s32 s2, $0x0;
	_ =	strace $0x90000047  }
0x54: {  	s0 =	sadd.s32 @!p0 $0x100000, s0;
	[bflag:$0x2] =	sbarrier.arrive $0xFFFF  }
0x55: {  	[sflag:s0] =	ssyncadd.tile.s32 @!p0 $0x1;
	_ =	shalt  }
.Lfunc_end2:
_tile_overlayer_lowered:
.L_overlay_start_2:
0x56: {  	(tag) =	ssettag $0x2  }
0x57: {  	s0 =	rddreg [dreg:$0x0];
	s2 =	stileid.u32  }
0x58: {  	s1 =	rddreg [dreg:$0x1];
	p0 =	sne.s32 s2, $0x0  }
0x59: {  	s3 =	rddreg [dreg:$0x2];
	[bflag:$0x3] =	sbarrier.arrive $0xFFFF;
	s2 =	simm.s32 @!p0 $0x1C06  }
0x5a: {  	[timem:s3], [sflag:s2] =	dma.local @!p0 [hbm:s0], s1  }
0x5b: {  	s0 =	simm.s32 @!p0 $0x6  }
0x5c: {  	_ =	swait.ge @!p0 [sflag:s0], s1  }
0x5d: {  	s1 =	ssub.s32 @!p0 $0x0, s1;
	[sflag:s0] =	ssyncset.done @!p0 $0x0  }
0x5e: {  	[sflag:s0] =	ssyncadd.s32 @!p0 s1  }
0x5f: {  	[bflag:$0x3] =	sbarrier.arrive $0xFFFF  }
0x60: {  	_ =	shalt  }

</sc_bundles>
